<compile_context>
chip_gen: v7x
topology: tpu7x:2x2x1
jax: 0.10.2.dev20260603
libtpu: 0.0.44.dev20260713+nightly
codegen_flags: <defaults>
</compile_context>

<pallas_src>
import functools

import jax
import jax.numpy as jnp
from jax import lax
from jax.experimental import pallas as pl
from jax.experimental.pallas import tpu as pltpu
from jax.experimental.pallas import tpu_sc as plsc

D = 64
SCALE = 8.0
L = 16
NC = 2
NS = 16
NW = NC * NS
V = 1000000
CHUNK = 256


@functools.partial(jax.jit, static_argnames=("n_idx",))
def _embed(x_flat, tab, n_idx):
    b_per_w = n_idx // NW
    n_chunks = b_per_w // CHUNK
    mesh = plsc.VectorSubcoreMesh(core_axis_name="c", subcore_axis_name="s")

    @functools.partial(
        pl.kernel,
        out_type=jax.ShapeDtypeStruct((n_idx, 128), jnp.float32),
        mesh=mesh,
        scratch_types=[
            pltpu.VMEM((b_per_w,), jnp.int32),
            pltpu.VMEM((2, CHUNK, 128), jnp.float32),
            pltpu.SemaphoreType.DMA((2,)),
            pltpu.SemaphoreType.DMA((2,)),
        ],
    )
    def k(x_hbm, tab_hbm, out_hbm, idx_all, rows2, gsem, osem):
        wid = lax.axis_index("s") * NC + lax.axis_index("c")
        base = wid * b_per_w
        pltpu.sync_copy(x_hbm.at[pl.ds(base, b_per_w)], idx_all)

        def start_gather(c, buf):
            pltpu.async_copy(
                tab_hbm.at[idx_all.at[pl.ds(c * CHUNK, CHUNK)]],
                rows2.at[buf],
                gsem.at[buf],
            )

        start_gather(0, 0)

        def out_wait(b):
            pltpu.make_async_copy(
                rows2.at[b], out_hbm.at[pl.ds(base, CHUNK), :], osem.at[b]
            ).wait()

        def chunk_body(c, carry):
            cur = c % 2
            nxt = (c + 1) % 2

            @pl.when(c >= 1)
            def _drain_prev_out():
                out_wait(nxt)

            @pl.when(c + 1 < n_chunks)
            def _issue_next():
                start_gather(c + 1, nxt)

            pltpu.make_async_copy(
                tab_hbm.at[idx_all.at[pl.ds(c * CHUNK, CHUNK)]],
                rows2.at[cur],
                gsem.at[cur],
            ).wait()

            def scale_body(r, carry2):
                for j in range(D // L):
                    sl = pl.ds(j * L, L)
                    rows2[cur, r, sl] = rows2[cur, r, sl] * SCALE
                return carry2

            lax.fori_loop(0, CHUNK, scale_body, 0, unroll=4)
            pltpu.async_copy(
                rows2.at[cur],
                out_hbm.at[pl.ds(base + c * CHUNK, CHUNK), :],
                osem.at[cur],
            )
            return carry

        lax.fori_loop(0, n_chunks, chunk_body, 0)
        out_wait((n_chunks - 1) % 2)

    return k(x_flat, tab)


def kernel(x, table):
    b, s = x.shape
    n = b * s
    tpad = jnp.pad(table, ((0, 0), (0, 64)))
    x_flat = x.reshape(-1)
    out_pad = _embed(x_flat, tpad, n)
    return out_pad[:, :D].reshape(b, s, D)

# --- scband reference (transcript-rebuilt; emitter-appended) ---
"""Pipeline reference for scband-token-embedding-2259152798507 (READ-ONLY COPY).

The authoritative reference and input builder live on the scoring server;
editing this copy changes nothing except your own understanding.
"""

import math
import jax, jax.numpy as jnp
import numpy as np

VOCAB_SIZE = 1000000
D_MODEL = 64
BATCH = 4096
SEQ_LEN = 200


def setup_inputs(seed: int = 0) -> dict:
    key = jax.random.key(seed)
    k1, k2 = jax.random.split(key)
    x = jax.random.randint(k1, (BATCH, SEQ_LEN), 0, VOCAB_SIZE, dtype=jnp.int64 if jax.config.read('jax_enable_x64') else jnp.int32)
    table = jax.random.normal(k2, (VOCAB_SIZE, D_MODEL), dtype=jnp.float32)
    return {"x": x, "table": table}


def reference(x, table):
    # TokenEmbedding.forward: embedding lookup then scale by sqrt(d_model)
    scale = math.sqrt(D_MODEL)
    embeddings = jnp.take(table, x, axis=0)  # (B, S, d_model)
    return embeddings * scale

if __name__ == "__main__":
    import jax
    _d = setup_inputs()
    print(jax.jit(kernel)(*tuple(_d.values())))

</pallas_src>

<mosaic_0001>
#map = affine_map<(d0, d1) -> (0)>
#map1 = affine_map<(d0, d1) -> (0, 0)>
module attributes {stable_mosaic.version = 14 : i64} {
  func.func @k(%arg0: i32, %arg1: i32, %arg2: memref<819200xi32, #tpu.memory_space<hbm>>, %arg3: memref<1000000x128xf32, #tpu.memory_space<hbm>>, %arg4: memref<819200x128xf32, #tpu.memory_space<hbm>>, %arg5: memref<25600xi32, #tpu.memory_space<vmem>>, %arg6: memref<2x256x128xf32, #tpu.memory_space<vmem>>, %arg7: memref<2x!tpu.dma_semaphore, #tpu.memory_space<semaphore_mem>>, %arg8: memref<2x!tpu.dma_semaphore, #tpu.memory_space<semaphore_mem>>) attributes {dimension_semantics = [#tpu.dimension_semantics<core_parallel>, #tpu.dimension_semantics<subcore_parallel>], iteration_bounds = array<i64: 2, 16>, scalar_prefetch = 0 : i64, scratch_operands = 4 : i64, tpu.core_type = #tpu.core_type<sc_vector_subcore>, window_params = [{transform_indices = #map}, {transform_indices = #map1}, {transform_indices = #map1}]} {
    %mul3A = arith.constant 2 : i32
    %mul3A_0 = arith.muli %arg1, %mul3A : i32
    %add3A = arith.addi %mul3A_0, %arg0 : i32
    %mul3A_1 = arith.constant 25600 : i32
    %mul3A_2 = arith.muli %add3A, %mul3A_1 : i32
    "tpu.region"() ({
      %run_scoped3A = tpu.sem_alloc : memref<!tpu.dma_semaphore, #tpu.memory_space<semaphore_mem>>
      %dma_start3A_35 = tpu.memref_slice %arg2[%mul3A_2] : memref<819200xi32, #tpu.memory_space<hbm>> -> memref<25600xi32, #tpu.memory_space<hbm>>
      %dma_start3A_36 = tpu.memref_slice %arg2[%mul3A_2] : memref<819200xi32, #tpu.memory_space<hbm>> -> memref<25600xi32, #tpu.memory_space<hbm>>
      tpu.enqueue_dma source(%dma_start3A_36 : memref<25600xi32, #tpu.memory_space<hbm>>) target(%arg5 : memref<25600xi32, #tpu.memory_space<vmem>>) target_semaphore(%run_scoped3A : memref<!tpu.dma_semaphore, #tpu.memory_space<semaphore_mem>>)
      %dma_wait3A_37 = tpu.memref_slice %arg2[%mul3A_2] : memref<819200xi32, #tpu.memory_space<hbm>> -> memref<25600xi32, #tpu.memory_space<hbm>>
      %dma_wait3A_38 = tpu.memref_slice %arg2[%mul3A_2] : memref<819200xi32, #tpu.memory_space<hbm>> -> memref<25600xi32, #tpu.memory_space<hbm>>
      tpu.wait_dma2 semaphore(%run_scoped3A : memref<!tpu.dma_semaphore, #tpu.memory_space<semaphore_mem>>) src(%dma_wait3A_38 : memref<25600xi32, #tpu.memory_space<hbm>>) dst(%arg5 : memref<25600xi32, #tpu.memory_space<vmem>>)
      tpu.yield
    }) : () -> ()
    %dma_start3A = arith.constant 0 : i32
    %dma_start3A_3 = arith.constant 0 : i32
    %dma_start3A_4 = arith.constant 0 : i32
    %dma_start3A_5 = arith.constant 0 : i32
    %dma_start3A_6 = tpu.memref_slice %arg6[%dma_start3A, %dma_start3A_4, %dma_start3A_5] : memref<2x256x128xf32, #tpu.memory_space<vmem>> -> memref<1x256x128xf32, #tpu.memory_space<vmem>>
    %dma_start3A_7 = tpu.memref_squeeze %dma_start3A_6 : memref<1x256x128xf32, #tpu.memory_space<vmem>> -> memref<256x128xf32, #tpu.memory_space<vmem>>
    %dma_start3A_8 = arith.constant 0 : i32
    %dma_start3A_9 = tpu.memref_slice %arg5[%dma_start3A_8] : memref<25600xi32, #tpu.memory_space<vmem>> -> memref<256xi32, #tpu.memory_space<vmem>>
    %dma_start3A_10 = arith.constant 0 : i32
    %dma_start3A_11 = arith.constant 0 : i32
    %dma_start3A_12 = tpu.memref_slice %arg3[%dma_start3A_10, %dma_start3A_11] : memref<1000000x128xf32, #tpu.memory_space<hbm>> -> memref<1000000x128xf32, #tpu.memory_space<hbm>>
    %dma_start3A_13 = tpu.memref_slice %arg7[%dma_start3A_3] : memref<2x!tpu.dma_semaphore, #tpu.memory_space<semaphore_mem>> -> memref<1x!tpu.dma_semaphore, #tpu.memory_space<semaphore_mem>>
    %dma_start3A_14 = tpu.memref_squeeze %dma_start3A_13 : memref<1x!tpu.dma_semaphore, #tpu.memory_space<semaphore_mem>> -> memref<!tpu.dma_semaphore, #tpu.memory_space<semaphore_mem>>
    tpu.enqueue_indirect_dma source(%dma_start3A_12 : memref<1000000x128xf32, #tpu.memory_space<hbm>>) target(%dma_start3A_7 : memref<256x128xf32, #tpu.memory_space<vmem>>) offsets(%dma_start3A_9 : memref<256xi32, #tpu.memory_space<vmem>>) semaphore(%dma_start3A_14 : memref<!tpu.dma_semaphore, #tpu.memory_space<semaphore_mem>>)
    %scan3A = arith.constant 0 : i32
    %scan3A_15 = arith.constant 0 : i32
    %scan3A_16 = arith.constant 100 : i32
    %scan3A_17 = arith.addi %scan3A_15, %scan3A_16 : i32
    %scan3A_18 = arith.constant 1 : i32
    scf.for %scan3A_35 = %scan3A_15 to %scan3A_17 step %scan3A_18  : i32 {
      %jit3A = arith.constant 2 : i32
      %eq3A = arith.constant 0 : i32
      %eq3A_36 = arith.cmpi eq, %jit3A, %eq3A : i32
      %jit3A_37 = arith.constant 1 : i32
      %select_n3A = arith.select %eq3A_36, %jit3A_37, %jit3A : i32
      %rem3A = arith.remsi %scan3A_35, %select_n3A : i32
      %ne3A = arith.constant 0 : i32
      %ne3A_38 = arith.cmpi ne, %rem3A, %ne3A : i32
      %lt3A = arith.constant 0 : i32
      %lt3A_39 = arith.cmpi slt, %rem3A, %lt3A : i32
      %lt3A_40 = arith.constant 0 : i32
      %lt3A_41 = arith.cmpi slt, %select_n3A, %lt3A_40 : i32
      %ne3A_42 = arith.xori %lt3A_39, %lt3A_41 : i1
      %and3A = arith.andi %ne3A_42, %ne3A_38 : i1
      %add3A_43 = arith.addi %rem3A, %select_n3A : i32
      %select_n3A_44 = arith.select %and3A, %add3A_43, %rem3A : i32
      %add3A_45 = arith.constant 1 : i32
      %add3A_46 = arith.addi %scan3A_35, %add3A_45 : i32
      %jit3A_47 = arith.constant 2 : i32
      %eq3A_48 = arith.constant 0 : i32
      %eq3A_49 = arith.cmpi eq, %jit3A_47, %eq3A_48 : i32
      %jit3A_50 = arith.constant 1 : i32
      %select_n3A_51 = arith.select %eq3A_49, %jit3A_50, %jit3A_47 : i32
      %rem3A_52 = arith.remsi %add3A_46, %select_n3A_51 : i32
      %ne3A_53 = arith.constant 0 : i32
      %ne3A_54 = arith.cmpi ne, %rem3A_52, %ne3A_53 : i32
      %lt3A_55 = arith.constant 0 : i32
      %lt3A_56 = arith.cmpi slt, %rem3A_52, %lt3A_55 : i32
      %lt3A_57 = arith.constant 0 : i32
      %lt3A_58 = arith.cmpi slt, %select_n3A_51, %lt3A_57 : i32
      %ne3A_59 = arith.xori %lt3A_56, %lt3A_58 : i1
      %and3A_60 = arith.andi %ne3A_59, %ne3A_54 : i1
      %add3A_61 = arith.addi %rem3A_52, %select_n3A_51 : i32
      %select_n3A_62 = arith.select %and3A_60, %add3A_61, %rem3A_52 : i32
      %ge3A = arith.constant 1 : i32
      %ge3A_63 = arith.cmpi sge, %scan3A_35, %ge3A : i32
      %convert_element_type3A = arith.extui %ge3A_63 : i1 to i32
      %cond3A = arith.constant 0 : i32
      %cond3A_64 = arith.cmpi ne, %convert_element_type3A, %cond3A : i32
      scf.if %cond3A_64 {
        %dma_wait3A_107 = arith.constant 0 : i32
        %dma_wait3A_108 = arith.constant 0 : i32
        %dma_wait3A_109 = tpu.memref_slice %arg6[%select_n3A_62, %dma_wait3A_107, %dma_wait3A_108] : memref<2x256x128xf32, #tpu.memory_space<vmem>> -> memref<1x256x128xf32, #tpu.memory_space<vmem>>
        %dma_wait3A_110 = tpu.memref_squeeze %dma_wait3A_109 : memref<1x256x128xf32, #tpu.memory_space<vmem>> -> memref<256x128xf32, #tpu.memory_space<vmem>>
        %dma_wait3A_111 = arith.constant 0 : i32
        %dma_wait3A_112 = tpu.memref_slice %arg4[%mul3A_2, %dma_wait3A_111] : memref<819200x128xf32, #tpu.memory_space<hbm>> -> memref<256x128xf32, #tpu.memory_space<hbm>>
        %dma_wait3A_113 = tpu.memref_slice %arg8[%select_n3A_62] : memref<2x!tpu.dma_semaphore, #tpu.memory_space<semaphore_mem>> -> memref<1x!tpu.dma_semaphore, #tpu.memory_space<semaphore_mem>>
        %dma_wait3A_114 = tpu.memref_squeeze %dma_wait3A_113 : memref<1x!tpu.dma_semaphore, #tpu.memory_space<semaphore_mem>> -> memref<!tpu.dma_semaphore, #tpu.memory_space<semaphore_mem>>
        %dma_wait3A_115 = arith.constant 0 : i32
        %dma_wait3A_116 = tpu.memref_slice %arg4[%mul3A_2, %dma_wait3A_115] : memref<819200x128xf32, #tpu.memory_space<hbm>> -> memref<256x128xf32, #tpu.memory_space<hbm>>
        %dma_wait3A_117 = arith.constant 0 : i32
        %dma_wait3A_118 = arith.constant 0 : i32
        %dma_wait3A_119 = tpu.memref_slice %arg6[%select_n3A_62, %dma_wait3A_117, %dma_wait3A_118] : memref<2x256x128xf32, #tpu.memory_space<vmem>> -> memref<1x256x128xf32, #tpu.memory_space<vmem>>
        %dma_wait3A_120 = tpu.memref_squeeze %dma_wait3A_119 : memref<1x256x128xf32, #tpu.memory_space<vmem>> -> memref<256x128xf32, #tpu.memory_space<vmem>>
        tpu.wait_dma2 semaphore(%dma_wait3A_114 : memref<!tpu.dma_semaphore, #tpu.memory_space<semaphore_mem>>) src(%dma_wait3A_120 : memref<256x128xf32, #tpu.memory_space<vmem>>) dst(%dma_wait3A_116 : memref<256x128xf32, #tpu.memory_space<hbm>>)
      } else {
      }
      %add3A_65 = arith.constant 1 : i32
      %add3A_66 = arith.addi %scan3A_35, %add3A_65 : i32
      %lt3A_67 = arith.constant 100 : i32
      %lt3A_68 = arith.cmpi slt, %add3A_66, %lt3A_67 : i32
      %convert_element_type3A_69 = arith.extui %lt3A_68 : i1 to i32
      %cond3A_70 = arith.constant 0 : i32
      %cond3A_71 = arith.cmpi ne, %convert_element_type3A_69, %cond3A_70 : i32
      scf.if %cond3A_71 {
        %add3A_107 = arith.constant 1 : i32
        %add3A_108 = arith.addi %scan3A_35, %add3A_107 : i32
        %mul3A_109 = arith.constant 256 : i32
        %mul3A_110 = arith.muli %add3A_108, %mul3A_109 : i32
        %dma_start3A_111 = arith.constant 0 : i32
        %dma_start3A_112 = arith.constant 0 : i32
        %dma_start3A_113 = tpu.memref_slice %arg6[%select_n3A_62, %dma_start3A_111, %dma_start3A_112] : memref<2x256x128xf32, #tpu.memory_space<vmem>> -> memref<1x256x128xf32, #tpu.memory_space<vmem>>
        %dma_start3A_114 = tpu.memref_squeeze %dma_start3A_113 : memref<1x256x128xf32, #tpu.memory_space<vmem>> -> memref<256x128xf32, #tpu.memory_space<vmem>>
        %dma_start3A_115 = tpu.memref_slice %arg5[%mul3A_110] : memref<25600xi32, #tpu.memory_space<vmem>> -> memref<256xi32, #tpu.memory_space<vmem>>
        %dma_start3A_116 = arith.constant 0 : i32
        %dma_start3A_117 = arith.constant 0 : i32
        %dma_start3A_118 = tpu.memref_slice %arg3[%dma_start3A_116, %dma_start3A_117] : memref<1000000x128xf32, #tpu.memory_space<hbm>> -> memref<1000000x128xf32, #tpu.memory_space<hbm>>
        %dma_start3A_119 = tpu.memref_slice %arg7[%select_n3A_62] : memref<2x!tpu.dma_semaphore, #tpu.memory_space<semaphore_mem>> -> memref<1x!tpu.dma_semaphore, #tpu.memory_space<semaphore_mem>>
        %dma_start3A_120 = tpu.memref_squeeze %dma_start3A_119 : memref<1x!tpu.dma_semaphore, #tpu.memory_space<semaphore_mem>> -> memref<!tpu.dma_semaphore, #tpu.memory_space<semaphore_mem>>
        tpu.enqueue_indirect_dma source(%dma_start3A_118 : memref<1000000x128xf32, #tpu.memory_space<hbm>>) target(%dma_start3A_114 : memref<256x128xf32, #tpu.memory_space<vmem>>) offsets(%dma_start3A_115 : memref<256xi32, #tpu.memory_space<vmem>>) semaphore(%dma_start3A_120 : memref<!tpu.dma_semaphore, #tpu.memory_space<semaphore_mem>>)
      } else {
      }
      %mul3A_72 = arith.constant 256 : i32
      %mul3A_73 = arith.muli %scan3A_35, %mul3A_72 : i32
      %dma_wait3A_74 = arith.constant 0 : i32
      %dma_wait3A_75 = arith.constant 0 : i32
      %dma_wait3A_76 = tpu.memref_slice %arg6[%select_n3A_44, %dma_wait3A_74, %dma_wait3A_75] : memref<2x256x128xf32, #tpu.memory_space<vmem>> -> memref<1x256x128xf32, #tpu.memory_space<vmem>>
      %dma_wait3A_77 = tpu.memref_squeeze %dma_wait3A_76 : memref<1x256x128xf32, #tpu.memory_space<vmem>> -> memref<256x128xf32, #tpu.memory_space<vmem>>
      %dma_wait3A_78 = tpu.memref_slice %arg5[%mul3A_73] : memref<25600xi32, #tpu.memory_space<vmem>> -> memref<256xi32, #tpu.memory_space<vmem>>
      %dma_wait3A_79 = arith.constant 0 : i32
      %dma_wait3A_80 = arith.constant 0 : i32
      %dma_wait3A_81 = tpu.memref_slice %arg3[%dma_wait3A_79, %dma_wait3A_80] : memref<1000000x128xf32, #tpu.memory_space<hbm>> -> memref<1000000x128xf32, #tpu.memory_space<hbm>>
      %dma_wait3A_82 = tpu.memref_slice %arg7[%select_n3A_44] : memref<2x!tpu.dma_semaphore, #tpu.memory_space<semaphore_mem>> -> memref<1x!tpu.dma_semaphore, #tpu.memory_space<semaphore_mem>>
      %dma_wait3A_83 = tpu.memref_squeeze %dma_wait3A_82 : memref<1x!tpu.dma_semaphore, #tpu.memory_space<semaphore_mem>> -> memref<!tpu.dma_semaphore, #tpu.memory_space<semaphore_mem>>
      tpu.wait_indirect_dma semaphore(%dma_wait3A_83 : memref<!tpu.dma_semaphore, #tpu.memory_space<semaphore_mem>>) src(%dma_wait3A_81 : memref<1000000x128xf32, #tpu.memory_space<hbm>>) dst(%dma_wait3A_77 : memref<256x128xf32, #tpu.memory_space<vmem>>)
      %scan3A_84 = arith.constant 0 : i32
      %scan3A_85 = arith.constant 0 : i32
      %scan3A_86 = arith.constant 256 : i32
      %scan3A_87 = arith.addi %scan3A_85, %scan3A_86 : i32
      %scan3A_88 = arith.constant 4 : i32
      scf.for %scan3A_107 = %scan3A_85 to %scan3A_87 step %scan3A_88  : i32 {
        %get3A = arith.index_cast %select_n3A_44 : i32 to index
        %get3A_108 = arith.index_cast %scan3A_107 : i32 to index
        %get3A_109 = arith.constant 0 : index
        %get3A_110 = tpu.vector_load %arg6[%get3A, %get3A_108, %get3A_109] {strides = array<i32>} : memref<2x256x128xf32, #tpu.memory_space<vmem>>, vector<1x1x16xf32>,
        %get3A_111 = vector.shape_cast %get3A_110 : vector<1x1x16xf32> to vector<16xf32>
        %mul3A_112 = arith.constant 8.000000e+00 : f32
        %mul3A_113 = vector.broadcast %mul3A_112 : f32 to vector<16xf32>
        %mul3A_114 = arith.mulf %get3A_111, %mul3A_113 : vector<16xf32>
        %swap3A = arith.index_cast %select_n3A_44 : i32 to index
        %swap3A_115 = arith.index_cast %scan3A_107 : i32 to index
        %swap3A_116 = arith.constant 0 : index
        %swap3A_117 = tpu.vector_load %arg6[%swap3A, %swap3A_115, %swap3A_116] {strides = array<i32>} : memref<2x256x128xf32, #tpu.memory_space<vmem>>, vector<1x1x16xf32>,
        %swap3A_118 = vector.shape_cast %swap3A_117 : vector<1x1x16xf32> to vector<16xf32>
        %swap3A_119 = vector.shape_cast %mul3A_114 : vector<16xf32> to vector<1x1x16xf32>
        tpu.vector_store %arg6[%swap3A, %swap3A_115, %swap3A_116], %swap3A_119 {strides = array<i32>} : memref<2x256x128xf32, #tpu.memory_space<vmem>>, vector<1x1x16xf32>,
        %get3A_120 = arith.index_cast %select_n3A_44 : i32 to index
        %get3A_121 = arith.index_cast %scan3A_107 : i32 to index
        %get3A_122 = arith.constant 16 : index
        %get3A_123 = tpu.vector_load %arg6[%get3A_120, %get3A_121, %get3A_122] {strides = array<i32>} : memref<2x256x128xf32, #tpu.memory_space<vmem>>, vector<1x1x16xf32>,
        %get3A_124 = vector.shape_cast %get3A_123 : vector<1x1x16xf32> to vector<16xf32>
        %mul3A_125 = arith.constant 8.000000e+00 : f32
        %mul3A_126 = vector.broadcast %mul3A_125 : f32 to vector<16xf32>
        %mul3A_127 = arith.mulf %get3A_124, %mul3A_126 : vector<16xf32>
        %swap3A_128 = arith.index_cast %select_n3A_44 : i32 to index
        %swap3A_129 = arith.index_cast %scan3A_107 : i32 to index
        %swap3A_130 = arith.constant 16 : index
        %swap3A_131 = tpu.vector_load %arg6[%swap3A_128, %swap3A_129, %swap3A_130] {strides = array<i32>} : memref<2x256x128xf32, #tpu.memory_space<vmem>>, vector<1x1x16xf32>,
        %swap3A_132 = vector.shape_cast %swap3A_131 : vector<1x1x16xf32> to vector<16xf32>
        %swap3A_133 = vector.shape_cast %mul3A_127 : vector<16xf32> to vector<1x1x16xf32>
        tpu.vector_store %arg6[%swap3A_128, %swap3A_129, %swap3A_130], %swap3A_133 {strides = array<i32>} : memref<2x256x128xf32, #tpu.memory_space<vmem>>, vector<1x1x16xf32>,
        %get3A_134 = arith.index_cast %select_n3A_44 : i32 to index
        %get3A_135 = arith.index_cast %scan3A_107 : i32 to index
        %get3A_136 = arith.constant 32 : index
        %get3A_137 = tpu.vector_load %arg6[%get3A_134, %get3A_135, %get3A_136] {strides = array<i32>} : memref<2x256x128xf32, #tpu.memory_space<vmem>>, vector<1x1x16xf32>,
        %get3A_138 = vector.shape_cast %get3A_137 : vector<1x1x16xf32> to vector<16xf32>
        %mul3A_139 = arith.constant 8.000000e+00 : f32
        %mul3A_140 = vector.broadcast %mul3A_139 : f32 to vector<16xf32>
        %mul3A_141 = arith.mulf %get3A_138, %mul3A_140 : vector<16xf32>
        %swap3A_142 = arith.index_cast %select_n3A_44 : i32 to index
        %swap3A_143 = arith.index_cast %scan3A_107 : i32 to index
        %swap3A_144 = arith.constant 32 : index
        %swap3A_145 = tpu.vector_load %arg6[%swap3A_142, %swap3A_143, %swap3A_144] {strides = array<i32>} : memref<2x256x128xf32, #tpu.memory_space<vmem>>, vector<1x1x16xf32>,
        %swap3A_146 = vector.shape_cast %swap3A_145 : vector<1x1x16xf32> to vector<16xf32>
        %swap3A_147 = vector.shape_cast %mul3A_141 : vector<16xf32> to vector<1x1x16xf32>
        tpu.vector_store %arg6[%swap3A_142, %swap3A_143, %swap3A_144], %swap3A_147 {strides = array<i32>} : memref<2x256x128xf32, #tpu.memory_space<vmem>>, vector<1x1x16xf32>,
        %get3A_148 = arith.index_cast %select_n3A_44 : i32 to index
        %get3A_149 = arith.index_cast %scan3A_107 : i32 to index
        %get3A_150 = arith.constant 48 : index
        %get3A_151 = tpu.vector_load %arg6[%get3A_148, %get3A_149, %get3A_150] {strides = array<i32>} : memref<2x256x128xf32, #tpu.memory_space<vmem>>, vector<1x1x16xf32>,
        %get3A_152 = vector.shape_cast %get3A_151 : vector<1x1x16xf32> to vector<16xf32>
        %mul3A_153 = arith.constant 8.000000e+00 : f32
        %mul3A_154 = vector.broadcast %mul3A_153 : f32 to vector<16xf32>
        %mul3A_155 = arith.mulf %get3A_152, %mul3A_154 : vector<16xf32>
        %swap3A_156 = arith.index_cast %select_n3A_44 : i32 to index
        %swap3A_157 = arith.index_cast %scan3A_107 : i32 to index
        %swap3A_158 = arith.constant 48 : index
        %swap3A_159 = tpu.vector_load %arg6[%swap3A_156, %swap3A_157, %swap3A_158] {strides = array<i32>} : memref<2x256x128xf32, #tpu.memory_space<vmem>>, vector<1x1x16xf32>,
        %swap3A_160 = vector.shape_cast %swap3A_159 : vector<1x1x16xf32> to vector<16xf32>
        %swap3A_161 = vector.shape_cast %mul3A_155 : vector<16xf32> to vector<1x1x16xf32>
        tpu.vector_store %arg6[%swap3A_156, %swap3A_157, %swap3A_158], %swap3A_161 {strides = array<i32>} : memref<2x256x128xf32, #tpu.memory_space<vmem>>, vector<1x1x16xf32>,
        %scan3A_162 = arith.constant 1 : i32
        %scan3A_163 = arith.addi %scan3A_107, %scan3A_162 : i32
        %get3A_164 = arith.index_cast %select_n3A_44 : i32 to index
        %get3A_165 = arith.index_cast %scan3A_163 : i32 to index
        %get3A_166 = arith.constant 0 : index
        %get3A_167 = tpu.vector_load %arg6[%get3A_164, %get3A_165, %get3A_166] {strides = array<i32>} : memref<2x256x128xf32, #tpu.memory_space<vmem>>, vector<1x1x16xf32>,
        %get3A_168 = vector.shape_cast %get3A_167 : vector<1x1x16xf32> to vector<16xf32>
        %mul3A_169 = arith.constant 8.000000e+00 : f32
        %mul3A_170 = vector.broadcast %mul3A_169 : f32 to vector<16xf32>
        %mul3A_171 = arith.mulf %get3A_168, %mul3A_170 : vector<16xf32>
        %swap3A_172 = arith.index_cast %select_n3A_44 : i32 to index
        %swap3A_173 = arith.index_cast %scan3A_163 : i32 to index
        %swap3A_174 = arith.constant 0 : index
        %swap3A_175 = tpu.vector_load %arg6[%swap3A_172, %swap3A_173, %swap3A_174] {strides = array<i32>} : memref<2x256x128xf32, #tpu.memory_space<vmem>>, vector<1x1x16xf32>,
        %swap3A_176 = vector.shape_cast %swap3A_175 : vector<1x1x16xf32> to vector<16xf32>
        %swap3A_177 = vector.shape_cast %mul3A_171 : vector<16xf32> to vector<1x1x16xf32>
        tpu.vector_store %arg6[%swap3A_172, %swap3A_173, %swap3A_174], %swap3A_177 {strides = array<i32>} : memref<2x256x128xf32, #tpu.memory_space<vmem>>, vector<1x1x16xf32>,
        %get3A_178 = arith.index_cast %select_n3A_44 : i32 to index
        %get3A_179 = arith.index_cast %scan3A_163 : i32 to index
        %get3A_180 = arith.constant 16 : index
        %get3A_181 = tpu.vector_load %arg6[%get3A_178, %get3A_179, %get3A_180] {strides = array<i32>} : memref<2x256x128xf32, #tpu.memory_space<vmem>>, vector<1x1x16xf32>,
        %get3A_182 = vector.shape_cast %get3A_181 : vector<1x1x16xf32> to vector<16xf32>
        %mul3A_183 = arith.constant 8.000000e+00 : f32
        %mul3A_184 = vector.broadcast %mul3A_183 : f32 to vector<16xf32>
        %mul3A_185 = arith.mulf %get3A_182, %mul3A_184 : vector<16xf32>
        %swap3A_186 = arith.index_cast %select_n3A_44 : i32 to index
        %swap3A_187 = arith.index_cast %scan3A_163 : i32 to index
        %swap3A_188 = arith.constant 16 : index
        %swap3A_189 = tpu.vector_load %arg6[%swap3A_186, %swap3A_187, %swap3A_188] {strides = array<i32>} : memref<2x256x128xf32, #tpu.memory_space<vmem>>, vector<1x1x16xf32>,
        %swap3A_190 = vector.shape_cast %swap3A_189 : vector<1x1x16xf32> to vector<16xf32>
        %swap3A_191 = vector.shape_cast %mul3A_185 : vector<16xf32> to vector<1x1x16xf32>
        tpu.vector_store %arg6[%swap3A_186, %swap3A_187, %swap3A_188], %swap3A_191 {strides = array<i32>} : memref<2x256x128xf32, #tpu.memory_space<vmem>>, vector<1x1x16xf32>,
        %get3A_192 = arith.index_cast %select_n3A_44 : i32 to index
        %get3A_193 = arith.index_cast %scan3A_163 : i32 to index
        %get3A_194 = arith.constant 32 : index
        %get3A_195 = tpu.vector_load %arg6[%get3A_192, %get3A_193, %get3A_194] {strides = array<i32>} : memref<2x256x128xf32, #tpu.memory_space<vmem>>, vector<1x1x16xf32>,
        %get3A_196 = vector.shape_cast %get3A_195 : vector<1x1x16xf32> to vector<16xf32>
        %mul3A_197 = arith.constant 8.000000e+00 : f32
        %mul3A_198 = vector.broadcast %mul3A_197 : f32 to vector<16xf32>
        %mul3A_199 = arith.mulf %get3A_196, %mul3A_198 : vector<16xf32>
        %swap3A_200 = arith.index_cast %select_n3A_44 : i32 to index
        %swap3A_201 = arith.index_cast %scan3A_163 : i32 to index
        %swap3A_202 = arith.constant 32 : index
        %swap3A_203 = tpu.vector_load %arg6[%swap3A_200, %swap3A_201, %swap3A_202] {strides = array<i32>} : memref<2x256x128xf32, #tpu.memory_space<vmem>>, vector<1x1x16xf32>,
        %swap3A_204 = vector.shape_cast %swap3A_203 : vector<1x1x16xf32> to vector<16xf32>
        %swap3A_205 = vector.shape_cast %mul3A_199 : vector<16xf32> to vector<1x1x16xf32>
        tpu.vector_store %arg6[%swap3A_200, %swap3A_201, %swap3A_202], %swap3A_205 {strides = array<i32>} : memref<2x256x128xf32, #tpu.memory_space<vmem>>, vector<1x1x16xf32>,
        %get3A_206 = arith.index_cast %select_n3A_44 : i32 to index
        %get3A_207 = arith.index_cast %scan3A_163 : i32 to index
        %get3A_208 = arith.constant 48 : index
        %get3A_209 = tpu.vector_load %arg6[%get3A_206, %get3A_207, %get3A_208] {strides = array<i32>} : memref<2x256x128xf32, #tpu.memory_space<vmem>>, vector<1x1x16xf32>,
        %get3A_210 = vector.shape_cast %get3A_209 : vector<1x1x16xf32> to vector<16xf32>
        %mul3A_211 = arith.constant 8.000000e+00 : f32
        %mul3A_212 = vector.broadcast %mul3A_211 : f32 to vector<16xf32>
        %mul3A_213 = arith.mulf %get3A_210, %mul3A_212 : vector<16xf32>
        %swap3A_214 = arith.index_cast %select_n3A_44 : i32 to index
        %swap3A_215 = arith.index_cast %scan3A_163 : i32 to index
        %swap3A_216 = arith.constant 48 : index
        %swap3A_217 = tpu.vector_load %arg6[%swap3A_214, %swap3A_215, %swap3A_216] {strides = array<i32>} : memref<2x256x128xf32, #tpu.memory_space<vmem>>, vector<1x1x16xf32>,
        %swap3A_218 = vector.shape_cast %swap3A_217 : vector<1x1x16xf32> to vector<16xf32>
        %swap3A_219 = vector.shape_cast %mul3A_213 : vector<16xf32> to vector<1x1x16xf32>
        tpu.vector_store %arg6[%swap3A_214, %swap3A_215, %swap3A_216], %swap3A_219 {strides = array<i32>} : memref<2x256x128xf32, #tpu.memory_space<vmem>>, vector<1x1x16xf32>,
        %scan3A_220 = arith.constant 2 : i32
        %scan3A_221 = arith.addi %scan3A_107, %scan3A_220 : i32
        %get3A_222 = arith.index_cast %select_n3A_44 : i32 to index
        %get3A_223 = arith.index_cast %scan3A_221 : i32 to index
        %get3A_224 = arith.constant 0 : index
        %get3A_225 = tpu.vector_load %arg6[%get3A_222, %get3A_223, %get3A_224] {strides = array<i32>} : memref<2x256x128xf32, #tpu.memory_space<vmem>>, vector<1x1x16xf32>,
        %get3A_226 = vector.shape_cast %get3A_225 : vector<1x1x16xf32> to vector<16xf32>
        %mul3A_227 = arith.constant 8.000000e+00 : f32
        %mul3A_228 = vector.broadcast %mul3A_227 : f32 to vector<16xf32>
        %mul3A_229 = arith.mulf %get3A_226, %mul3A_228 : vector<16xf32>
        %swap3A_230 = arith.index_cast %select_n3A_44 : i32 to index
        %swap3A_231 = arith.index_cast %scan3A_221 : i32 to index
        %swap3A_232 = arith.constant 0 : index
        %swap3A_233 = tpu.vector_load %arg6[%swap3A_230, %swap3A_231, %swap3A_232] {strides = array<i32>} : memref<2x256x128xf32, #tpu.memory_space<vmem>>, vector<1x1x16xf32>,
        %swap3A_234 = vector.shape_cast %swap3A_233 : vector<1x1x16xf32> to vector<16xf32>
        %swap3A_235 = vector.shape_cast %mul3A_229 : vector<16xf32> to vector<1x1x16xf32>
        tpu.vector_store %arg6[%swap3A_230, %swap3A_231, %swap3A_232], %swap3A_235 {strides = array<i32>} : memref<2x256x128xf32, #tpu.memory_space<vmem>>, vector<1x1x16xf32>,
        %get3A_236 = arith.index_cast %select_n3A_44 : i32 to index
        %get3A_237 = arith.index_cast %scan3A_221 : i32 to index
        %get3A_238 = arith.constant 16 : index
        %get3A_239 = tpu.vector_load %arg6[%get3A_236, %get3A_237, %get3A_238] {strides = array<i32>} : memref<2x256x128xf32, #tpu.memory_space<vmem>>, vector<1x1x16xf32>,
        %get3A_240 = vector.shape_cast %get3A_239 : vector<1x1x16xf32> to vector<16xf32>
        %mul3A_241 = arith.constant 8.000000e+00 : f32
        %mul3A_242 = vector.broadcast %mul3A_241 : f32 to vector<16xf32>
        %mul3A_243 = arith.mulf %get3A_240, %mul3A_242 : vector<16xf32>
        %swap3A_244 = arith.index_cast %select_n3A_44 : i32 to index
        %swap3A_245 = arith.index_cast %scan3A_221 : i32 to index
        %swap3A_246 = arith.constant 16 : index
        %swap3A_247 = tpu.vector_load %arg6[%swap3A_244, %swap3A_245, %swap3A_246] {strides = array<i32>} : memref<2x256x128xf32, #tpu.memory_space<vmem>>, vector<1x1x16xf32>,
        %swap3A_248 = vector.shape_cast %swap3A_247 : vector<1x1x16xf32> to vector<16xf32>
        %swap3A_249 = vector.shape_cast %mul3A_243 : vector<16xf32> to vector<1x1x16xf32>
        tpu.vector_store %arg6[%swap3A_244, %swap3A_245, %swap3A_246], %swap3A_249 {strides = array<i32>} : memref<2x256x128xf32, #tpu.memory_space<vmem>>, vector<1x1x16xf32>,
        %get3A_250 = arith.index_cast %select_n3A_44 : i32 to index
        %get3A_251 = arith.index_cast %scan3A_221 : i32 to index
        %get3A_252 = arith.constant 32 : index
        %get3A_253 = tpu.vector_load %arg6[%get3A_250, %get3A_251, %get3A_252] {strides = array<i32>} : memref<2x256x128xf32, #tpu.memory_space<vmem>>, vector<1x1x16xf32>,
        %get3A_254 = vector.shape_cast %get3A_253 : vector<1x1x16xf32> to vector<16xf32>
        %mul3A_255 = arith.constant 8.000000e+00 : f32
        %mul3A_256 = vector.broadcast %mul3A_255 : f32 to vector<16xf32>
        %mul3A_257 = arith.mulf %get3A_254, %mul3A_256 : vector<16xf32>
        %swap3A_258 = arith.index_cast %select_n3A_44 : i32 to index
        %swap3A_259 = arith.index_cast %scan3A_221 : i32 to index
        %swap3A_260 = arith.constant 32 : index
        %swap3A_261 = tpu.vector_load %arg6[%swap3A_258, %swap3A_259, %swap3A_260] {strides = array<i32>} : memref<2x256x128xf32, #tpu.memory_space<vmem>>, vector<1x1x16xf32>,
        %swap3A_262 = vector.shape_cast %swap3A_261 : vector<1x1x16xf32> to vector<16xf32>
        %swap3A_263 = vector.shape_cast %mul3A_257 : vector<16xf32> to vector<1x1x16xf32>
        tpu.vector_store %arg6[%swap3A_258, %swap3A_259, %swap3A_260], %swap3A_263 {strides = array<i32>} : memref<2x256x128xf32, #tpu.memory_space<vmem>>, vector<1x1x16xf32>,
        %get3A_264 = arith.index_cast %select_n3A_44 : i32 to index
        %get3A_265 = arith.index_cast %scan3A_221 : i32 to index
        %get3A_266 = arith.constant 48 : index
        %get3A_267 = tpu.vector_load %arg6[%get3A_264, %get3A_265, %get3A_266] {strides = array<i32>} : memref<2x256x128xf32, #tpu.memory_space<vmem>>, vector<1x1x16xf32>,
        %get3A_268 = vector.shape_cast %get3A_267 : vector<1x1x16xf32> to vector<16xf32>
        %mul3A_269 = arith.constant 8.000000e+00 : f32
        %mul3A_270 = vector.broadcast %mul3A_269 : f32 to vector<16xf32>
        %mul3A_271 = arith.mulf %get3A_268, %mul3A_270 : vector<16xf32>
        %swap3A_272 = arith.index_cast %select_n3A_44 : i32 to index
        %swap3A_273 = arith.index_cast %scan3A_221 : i32 to index
        %swap3A_274 = arith.constant 48 : index
        %swap3A_275 = tpu.vector_load %arg6[%swap3A_272, %swap3A_273, %swap3A_274] {strides = array<i32>} : memref<2x256x128xf32, #tpu.memory_space<vmem>>, vector<1x1x16xf32>,
        %swap3A_276 = vector.shape_cast %swap3A_275 : vector<1x1x16xf32> to vector<16xf32>
        %swap3A_277 = vector.shape_cast %mul3A_271 : vector<16xf32> to vector<1x1x16xf32>
        tpu.vector_store %arg6[%swap3A_272, %swap3A_273, %swap3A_274], %swap3A_277 {strides = array<i32>} : memref<2x256x128xf32, #tpu.memory_space<vmem>>, vector<1x1x16xf32>,
        %scan3A_278 = arith.constant 3 : i32
        %scan3A_279 = arith.addi %scan3A_107, %scan3A_278 : i32
        %get3A_280 = arith.index_cast %select_n3A_44 : i32 to index
        %get3A_281 = arith.index_cast %scan3A_279 : i32 to index
        %get3A_282 = arith.constant 0 : index
        %get3A_283 = tpu.vector_load %arg6[%get3A_280, %get3A_281, %get3A_282] {strides = array<i32>} : memref<2x256x128xf32, #tpu.memory_space<vmem>>, vector<1x1x16xf32>,
        %get3A_284 = vector.shape_cast %get3A_283 : vector<1x1x16xf32> to vector<16xf32>
        %mul3A_285 = arith.constant 8.000000e+00 : f32
        %mul3A_286 = vector.broadcast %mul3A_285 : f32 to vector<16xf32>
        %mul3A_287 = arith.mulf %get3A_284, %mul3A_286 : vector<16xf32>
        %swap3A_288 = arith.index_cast %select_n3A_44 : i32 to index
        %swap3A_289 = arith.index_cast %scan3A_279 : i32 to index
        %swap3A_290 = arith.constant 0 : index
        %swap3A_291 = tpu.vector_load %arg6[%swap3A_288, %swap3A_289, %swap3A_290] {strides = array<i32>} : memref<2x256x128xf32, #tpu.memory_space<vmem>>, vector<1x1x16xf32>,
        %swap3A_292 = vector.shape_cast %swap3A_291 : vector<1x1x16xf32> to vector<16xf32>
        %swap3A_293 = vector.shape_cast %mul3A_287 : vector<16xf32> to vector<1x1x16xf32>
        tpu.vector_store %arg6[%swap3A_288, %swap3A_289, %swap3A_290], %swap3A_293 {strides = array<i32>} : memref<2x256x128xf32, #tpu.memory_space<vmem>>, vector<1x1x16xf32>,
        %get3A_294 = arith.index_cast %select_n3A_44 : i32 to index
        %get3A_295 = arith.index_cast %scan3A_279 : i32 to index
        %get3A_296 = arith.constant 16 : index
        %get3A_297 = tpu.vector_load %arg6[%get3A_294, %get3A_295, %get3A_296] {strides = array<i32>} : memref<2x256x128xf32, #tpu.memory_space<vmem>>, vector<1x1x16xf32>,
        %get3A_298 = vector.shape_cast %get3A_297 : vector<1x1x16xf32> to vector<16xf32>
        %mul3A_299 = arith.constant 8.000000e+00 : f32
        %mul3A_300 = vector.broadcast %mul3A_299 : f32 to vector<16xf32>
        %mul3A_301 = arith.mulf %get3A_298, %mul3A_300 : vector<16xf32>
        %swap3A_302 = arith.index_cast %select_n3A_44 : i32 to index
        %swap3A_303 = arith.index_cast %scan3A_279 : i32 to index
        %swap3A_304 = arith.constant 16 : index
        %swap3A_305 = tpu.vector_load %arg6[%swap3A_302, %swap3A_303, %swap3A_304] {strides = array<i32>} : memref<2x256x128xf32, #tpu.memory_space<vmem>>, vector<1x1x16xf32>,
        %swap3A_306 = vector.shape_cast %swap3A_305 : vector<1x1x16xf32> to vector<16xf32>
        %swap3A_307 = vector.shape_cast %mul3A_301 : vector<16xf32> to vector<1x1x16xf32>
        tpu.vector_store %arg6[%swap3A_302, %swap3A_303, %swap3A_304], %swap3A_307 {strides = array<i32>} : memref<2x256x128xf32, #tpu.memory_space<vmem>>, vector<1x1x16xf32>,
        %get3A_308 = arith.index_cast %select_n3A_44 : i32 to index
        %get3A_309 = arith.index_cast %scan3A_279 : i32 to index
        %get3A_310 = arith.constant 32 : index
        %get3A_311 = tpu.vector_load %arg6[%get3A_308, %get3A_309, %get3A_310] {strides = array<i32>} : memref<2x256x128xf32, #tpu.memory_space<vmem>>, vector<1x1x16xf32>,
        %get3A_312 = vector.shape_cast %get3A_311 : vector<1x1x16xf32> to vector<16xf32>
        %mul3A_313 = arith.constant 8.000000e+00 : f32
        %mul3A_314 = vector.broadcast %mul3A_313 : f32 to vector<16xf32>
        %mul3A_315 = arith.mulf %get3A_312, %mul3A_314 : vector<16xf32>
        %swap3A_316 = arith.index_cast %select_n3A_44 : i32 to index
        %swap3A_317 = arith.index_cast %scan3A_279 : i32 to index
        %swap3A_318 = arith.constant 32 : index
        %swap3A_319 = tpu.vector_load %arg6[%swap3A_316, %swap3A_317, %swap3A_318] {strides = array<i32>} : memref<2x256x128xf32, #tpu.memory_space<vmem>>, vector<1x1x16xf32>,
        %swap3A_320 = vector.shape_cast %swap3A_319 : vector<1x1x16xf32> to vector<16xf32>
        %swap3A_321 = vector.shape_cast %mul3A_315 : vector<16xf32> to vector<1x1x16xf32>
        tpu.vector_store %arg6[%swap3A_316, %swap3A_317, %swap3A_318], %swap3A_321 {strides = array<i32>} : memref<2x256x128xf32, #tpu.memory_space<vmem>>, vector<1x1x16xf32>,
        %get3A_322 = arith.index_cast %select_n3A_44 : i32 to index
        %get3A_323 = arith.index_cast %scan3A_279 : i32 to index
        %get3A_324 = arith.constant 48 : index
        %get3A_325 = tpu.vector_load %arg6[%get3A_322, %get3A_323, %get3A_324] {strides = array<i32>} : memref<2x256x128xf32, #tpu.memory_space<vmem>>, vector<1x1x16xf32>,
        %get3A_326 = vector.shape_cast %get3A_325 : vector<1x1x16xf32> to vector<16xf32>
        %mul3A_327 = arith.constant 8.000000e+00 : f32
        %mul3A_328 = vector.broadcast %mul3A_327 : f32 to vector<16xf32>
        %mul3A_329 = arith.mulf %get3A_326, %mul3A_328 : vector<16xf32>
        %swap3A_330 = arith.index_cast %select_n3A_44 : i32 to index
        %swap3A_331 = arith.index_cast %scan3A_279 : i32 to index
        %swap3A_332 = arith.constant 48 : index
        %swap3A_333 = tpu.vector_load %arg6[%swap3A_330, %swap3A_331, %swap3A_332] {strides = array<i32>} : memref<2x256x128xf32, #tpu.memory_space<vmem>>, vector<1x1x16xf32>,
        %swap3A_334 = vector.shape_cast %swap3A_333 : vector<1x1x16xf32> to vector<16xf32>
        %swap3A_335 = vector.shape_cast %mul3A_329 : vector<16xf32> to vector<1x1x16xf32>
        tpu.vector_store %arg6[%swap3A_330, %swap3A_331, %swap3A_332], %swap3A_335 {strides = array<i32>} : memref<2x256x128xf32, #tpu.memory_space<vmem>>, vector<1x1x16xf32>,
      }
      %scan3A_89 = arith.constant 256 : i32
      %mul3A_90 = arith.constant 256 : i32
      %mul3A_91 = arith.muli %scan3A_35, %mul3A_90 : i32
      %add3A_92 = arith.addi %mul3A_2, %mul3A_91 : i32
      %dma_start3A_93 = arith.constant 0 : i32
      %dma_start3A_94 = arith.constant 0 : i32
      %dma_start3A_95 = tpu.memref_slice %arg6[%select_n3A_44, %dma_start3A_93, %dma_start3A_94] : memref<2x256x128xf32, #tpu.memory_space<vmem>> -> memref<1x256x128xf32, #tpu.memory_space<vmem>>
      %dma_start3A_96 = tpu.memref_squeeze %dma_start3A_95 : memref<1x256x128xf32, #tpu.memory_space<vmem>> -> memref<256x128xf32, #tpu.memory_space<vmem>>
      %dma_start3A_97 = arith.constant 0 : i32
      %dma_start3A_98 = tpu.memref_slice %arg4[%add3A_92, %dma_start3A_97] : memref<819200x128xf32, #tpu.memory_space<hbm>> -> memref<256x128xf32, #tpu.memory_space<hbm>>
      %dma_start3A_99 = tpu.memref_slice %arg8[%select_n3A_44] : memref<2x!tpu.dma_semaphore, #tpu.memory_space<semaphore_mem>> -> memref<1x!tpu.dma_semaphore, #tpu.memory_space<semaphore_mem>>
      %dma_start3A_100 = tpu.memref_squeeze %dma_start3A_99 : memref<1x!tpu.dma_semaphore, #tpu.memory_space<semaphore_mem>> -> memref<!tpu.dma_semaphore, #tpu.memory_space<semaphore_mem>>
      %dma_start3A_101 = arith.constant 0 : i32
      %dma_start3A_102 = tpu.memref_slice %arg4[%add3A_92, %dma_start3A_101] : memref<819200x128xf32, #tpu.memory_space<hbm>> -> memref<256x128xf32, #tpu.memory_space<hbm>>
      %dma_start3A_103 = arith.constant 0 : i32
      %dma_start3A_104 = arith.constant 0 : i32
      %dma_start3A_105 = tpu.memref_slice %arg6[%select_n3A_44, %dma_start3A_103, %dma_start3A_104] : memref<2x256x128xf32, #tpu.memory_space<vmem>> -> memref<1x256x128xf32, #tpu.memory_space<vmem>>
      %dma_start3A_106 = tpu.memref_squeeze %dma_start3A_105 : memref<1x256x128xf32, #tpu.memory_space<vmem>> -> memref<256x128xf32, #tpu.memory_space<vmem>>
      tpu.enqueue_dma source(%dma_start3A_106 : memref<256x128xf32, #tpu.memory_space<vmem>>) target(%dma_start3A_102 : memref<256x128xf32, #tpu.memory_space<hbm>>) target_semaphore(%dma_start3A_100 : memref<!tpu.dma_semaphore, #tpu.memory_space<semaphore_mem>>)
    }
    %scan3A_19 = arith.constant 100 : i32
    %dma_wait3A = arith.constant 1 : i32
    %dma_wait3A_20 = arith.constant 1 : i32
    %dma_wait3A_21 = arith.constant 0 : i32
    %dma_wait3A_22 = arith.constant 0 : i32
    %dma_wait3A_23 = tpu.memref_slice %arg6[%dma_wait3A, %dma_wait3A_21, %dma_wait3A_22] : memref<2x256x128xf32, #tpu.memory_space<vmem>> -> memref<1x256x128xf32, #tpu.memory_space<vmem>>
    %dma_wait3A_24 = tpu.memref_squeeze %dma_wait3A_23 : memref<1x256x128xf32, #tpu.memory_space<vmem>> -> memref<256x128xf32, #tpu.memory_space<vmem>>
    %dma_wait3A_25 = arith.constant 0 : i32
    %dma_wait3A_26 = tpu.memref_slice %arg4[%mul3A_2, %dma_wait3A_25] : memref<819200x128xf32, #tpu.memory_space<hbm>> -> memref<256x128xf32, #tpu.memory_space<hbm>>
    %dma_wait3A_27 = tpu.memref_slice %arg8[%dma_wait3A_20] : memref<2x!tpu.dma_semaphore, #tpu.memory_space<semaphore_mem>> -> memref<1x!tpu.dma_semaphore, #tpu.memory_space<semaphore_mem>>
    %dma_wait3A_28 = tpu.memref_squeeze %dma_wait3A_27 : memref<1x!tpu.dma_semaphore, #tpu.memory_space<semaphore_mem>> -> memref<!tpu.dma_semaphore, #tpu.memory_space<semaphore_mem>>
    %dma_wait3A_29 = arith.constant 0 : i32
    %dma_wait3A_30 = tpu.memref_slice %arg4[%mul3A_2, %dma_wait3A_29] : memref<819200x128xf32, #tpu.memory_space<hbm>> -> memref<256x128xf32, #tpu.memory_space<hbm>>
    %dma_wait3A_31 = arith.constant 0 : i32
    %dma_wait3A_32 = arith.constant 0 : i32
    %dma_wait3A_33 = tpu.memref_slice %arg6[%dma_wait3A, %dma_wait3A_31, %dma_wait3A_32] : memref<2x256x128xf32, #tpu.memory_space<vmem>> -> memref<1x256x128xf32, #tpu.memory_space<vmem>>
    %dma_wait3A_34 = tpu.memref_squeeze %dma_wait3A_33 : memref<1x256x128xf32, #tpu.memory_space<vmem>> -> memref<256x128xf32, #tpu.memory_space<vmem>>
    tpu.wait_dma2 semaphore(%dma_wait3A_28 : memref<!tpu.dma_semaphore, #tpu.memory_space<semaphore_mem>>) src(%dma_wait3A_34 : memref<256x128xf32, #tpu.memory_space<vmem>>) dst(%dma_wait3A_30 : memref<256x128xf32, #tpu.memory_space<hbm>>)
    return
  }
}

</mosaic_0001>

<sc_bundles>
// kernel: _embed.3.cloned.1.call-start
scs
__scs_entry_jumppad:
0x0: {  	(pc) =	sbr.rel $0x88, $3  }
0x1: {  	(tag) =	ssettag $0x0;
	lr =	simm.s32 $0x1  }
0x2: {  	[smem:$0x3F9F] =	sst lr;
	_ =	strace $0xD0000000  }
0x3: {  	_ = 	snop  }
0x4: {  	_ = 	snop  }
0x5: {  	_ = 	snop  }
0x6: {  	_ = 	snop  }
0x7: {  	_ = 	snop  }
__scs_overlays_trampoline_lowered:
0x8: {  	[smem:$0x3FAE] =	sst s0  }
0x9: {  	[smem:$0x3FAF] =	sst s1  }
0xa: {  	[smem:$0x3FB0] =	sst s2  }
0xb: {  	[smem:$0x3FB1] =	sst s3  }
0xc: {  	[smem:$0x3FB2] =	sst s4  }
0xd: {  	[smem:$0x3FB3] =	sst s5  }
0xe: {  	[smem:$0x3FB4] =	sst s6  }
0xf: {  	[smem:$0x3FB5] =	sst s7  }
0x10: {  	[smem:$0x3FB6] =	sst s8  }
0x11: {  	[smem:$0x3FB7] =	sst s9;
	s0 =	simm.s32 @!p0 $0x0  }
0x12: {  	s1 =	sld [smem:$0x3F9D];
	s0 =	simm.s32 @p0 $0x1  }
0x13: {  	[smem:$0x3FB8] =	sst s0;
	s0 =	simm.s32 @!p1 $0x0  }
0x14: {  	s2 =	sld [smem:$0x3F9C];
	s0 =	simm.s32 @p1 $0x1  }
0x15: {  	[smem:$0x3FB9] =	sst s0;
	s0 =	simm.s32 @!p2 $0x0  }
0x16: {  	s3 =	sld [smem:$0x3FDB];
	s0 =	simm.s32 @p2 $0x1  }
0x17: {  	s4 =	simm.s32 $0x1BF5;
	[smem:$0x3FBB] =	sst s0  }
0x18: {  	s0 =	sld [smem:$0x3F9E];
	_ =	swait.ge [sflag:s4], $0x0  }
0x19: {  	s7 =	sld [smem:$0x3F9F]  }
0x1a: {  	s8 =	sadd.s32 $0xFFFFE003, lr  }
0x1b: {  	s9 =	sadd.s32 $0xFFFFFEF7, lr;
	s5 =	simm.s32 $0xFFFFFFFF;
	p2 =	slt.u32 s8, $0xFFFFF086  }
0x1c: {  	p1 =	slt.u32 s9, $0xF7A;
	s5 =	simm.s32 @!p2 $0x0  }
0x1d: {  	s5 =	simm.s32 @p1 $0x1;
	p0 =	seq.s32 s7, s2  }
0x1e: {  	s7 =	smul.u32 @!p0 $0xF7A, s2;
	p2 =	seq.s32 @!p0 s5, $0x0  }
0x1f: {  	s9 =	smul.u32 $0xF7A, s1;
	s8 =	simm.s32 @!p0 $0x1BF5;
	p2 =	por !p2, p0  }
0x20: {  	[sflag:s8] =	ssyncset.s32 @!p0 $0xFFFFF086;
	s6 =	sadd.s32 @!p0 s3, s7;
	s7 =	simm.s32 @!p0 $0x108  }
0x21: {  	s3 =	sadd.s32 s3, s9;
	s6 =	sadd.s32 @!p0 $0x88, s6;
	s7 =	simm.s32 @p2 $0x1082  }
0x22: {  	[simem:s7], [sflag:s8] =	dma.local @!p0 [hbm:s6], $0xF7A  }
0x23: {  	s9 =	sor.u32 $0xD0000000, s2;
	s6 =	simm.s32 $0x108;
	_ =	swait.ge @!p0 [sflag:s8], $0x0  }
0x24: {  	s3 =	sadd.s32 $0x88, s3;
	s6 =	simm.s32 @!p1 $0x1082;
	[sflag:s4] =	ssyncset.s32 $0xFFFFF086  }
0x25: {  	[simem:s6], [sflag:s4] =	dma.local [hbm:s3], $0xF7A  }
0x26: {  	[smem:$0x3F9F] =	sst s1;
	(tag) =	ssettag s2;
	_ =	strace s9  }
0x27: {  	s1 =	sld [smem:$0x3FAF]  }
0x28: {  	s2 =	sld [smem:$0x3FB0]  }
0x29: {  	s4 =	sld [smem:$0x3FB2]  }
0x2a: {  	p0 =	seq.s32 s5, $0x0;
	s5 =	sld [smem:$0x3FB3]  }
0x2b: {  	s6 =	sld [smem:$0x3FB4]  }
0x2c: {  	s7 =	sld [smem:$0x3FB5]  }
0x2d: {  	s3 =	simm.s32 $0x108;
	s8 =	sld [smem:$0x3FB6]  }
0x2e: {  	s3 =	simm.s32 @!p0 $0x1082;
	s9 =	sld [smem:$0x3FB7]  }
0x2f: {  	lr =	sadd.s32 s0, s3;
	s0 =	sld [smem:$0x3FAE]  }
0x30: {  	s3 =	sld [smem:$0x3FB1]  }
0x31: {  	[smem:$0x3FBA] =	sst s10  }
0x32: {  	s10 =	sld [smem:$0x3FB8];
	_ =	sdelay $0x3  }
0x33: {  	p0 =	seq.s32 s10, $0x1;
	s10 =	sld [smem:$0x3FBA];
	_ =	sdelay $0x3  }
0x34: {  	[smem:$0x3FBA] =	sst s10  }
0x35: {  	s10 =	sld [smem:$0x3FB9];
	_ =	sdelay $0x3  }
0x36: {  	p1 =	seq.s32 s10, $0x1;
	s10 =	sld [smem:$0x3FBA];
	_ =	sdelay $0x3  }
0x37: {  	[smem:$0x3FBA] =	sst s10  }
0x38: {  	s10 =	sld [smem:$0x3FBB]  }
0x39: {  	_ = 	snop;
	(pc) =	sbr.ind lr, $3  }
0x3a: {  	_ = 	snop  }
0x3b: {  	_ = 	snop  }
0x3c: {  	p2 =	seq.s32 s10, $0x1;
	s10 =	sld [smem:$0x3FBA]  }
0x3d: {  	_ =	shalt  }
0x3e: {  	_ =	shalt  }
0x3f: {  	_ =	shalt  }
0x40: {  	_ =	shalt  }
0x41: {  	_ =	shalt  }
0x42: {  	_ =	shalt  }
0x43: {  	_ =	shalt  }
0x44: {  	_ =	shalt  }
0x45: {  	_ =	shalt  }
0x46: {  	_ =	shalt  }
0x47: {  	_ =	shalt  }
0x48: {  	_ =	shalt  }
0x49: {  	_ =	shalt  }
0x4a: {  	_ =	shalt  }
0x4b: {  	_ =	shalt  }
0x4c: {  	_ =	shalt  }
0x4d: {  	_ =	shalt  }
0x4e: {  	_ =	shalt  }
0x4f: {  	_ =	shalt  }
0x50: {  	_ =	shalt  }
0x51: {  	_ =	shalt  }
0x52: {  	_ =	shalt  }
0x53: {  	_ =	shalt  }
0x54: {  	_ =	shalt  }
0x55: {  	_ =	shalt  }
0x56: {  	_ =	shalt  }
0x57: {  	_ =	shalt  }
0x58: {  	_ =	shalt  }
0x59: {  	_ =	shalt  }
0x5a: {  	_ =	shalt  }
0x5b: {  	_ =	shalt  }
0x5c: {  	_ =	shalt  }
0x5d: {  	_ =	shalt  }
0x5e: {  	_ =	shalt  }
0x5f: {  	_ =	shalt  }
0x60: {  	_ =	shalt  }
0x61: {  	_ =	shalt  }
0x62: {  	_ =	shalt  }
0x63: {  	_ =	shalt  }
0x64: {  	_ =	shalt  }
0x65: {  	_ =	shalt  }
0x66: {  	_ =	shalt  }
0x67: {  	_ =	shalt  }
0x68: {  	_ =	shalt  }
0x69: {  	_ =	shalt  }
0x6a: {  	_ =	shalt  }
0x6b: {  	_ =	shalt  }
0x6c: {  	_ =	shalt  }
0x6d: {  	_ =	shalt  }
0x6e: {  	_ =	shalt  }
0x6f: {  	_ =	shalt  }
0x70: {  	_ =	shalt  }
0x71: {  	_ =	shalt  }
0x72: {  	_ =	shalt  }
0x73: {  	_ =	shalt  }
0x74: {  	_ =	shalt  }
0x75: {  	_ =	shalt  }
0x76: {  	_ =	shalt  }
0x77: {  	_ =	shalt  }
0x78: {  	_ =	shalt  }
0x79: {  	_ =	shalt  }
0x7a: {  	_ =	shalt  }
0x7b: {  	_ =	shalt  }
0x7c: {  	_ =	shalt  }
0x7d: {  	_ =	shalt  }
0x7e: {  	_ =	shalt  }
0x7f: {  	_ =	shalt  }
0x80: {  	_ =	shalt  }
0x81: {  	_ =	shalt  }
0x82: {  	_ =	shalt  }
0x83: {  	_ =	shalt  }
0x84: {  	_ =	shalt  }
0x85: {  	_ =	shalt  }
0x86: {  	_ =	shalt  }
0x87: {  	_ =	shalt  }
.Lfunc_end0:
.L_simem_size_0:
called_computation_lowered:
.L_overlay_start_0:
0x88: {  	s2 =	sld [smem:$0x3FD9]  }
0x89: {  	s3 =	sld [smem:$0x3FFE];
	_ =	sdelay $0x1  }
0x8a: {  	s1 =	srdreg.scid  }
0x8b: {  	s0 =	sand.u32 $0x1, s1  }
0x8c: {  	s18 =	sshll.u32 s0, $0xA;
	s2 =	sadd.s32 s3, s2  }
0x8d: {  	s2 =	sadd.s32 s2, s18  }
0x8e: {  	[smem:$0x3FC6] =	sst s2  }
0x8f: {  	_ = 	snop  }
0x90: {  	s2 =	sld [smem:$0x3FC9]  }
0x91: {  	s19 =	sld [smem:$0x3FC8]  }
0x92: {  	s4 =	sld [smem:$0x3FD0];
	(tm) =	ssettm $0x1  }
0x93: {  	s5 =	sld [smem:$0x3FFB];
	_ =	sdelay $0x3  }
0x94: {  	_ =	strace s5  }
0x95: {  	s5 =	sld [smem:$0x3FFC];
	_ =	sdelay $0x3  }
0x96: {  	_ =	strace s5  }
0x97: {  	s5 =	sld [smem:$0x3FFD];
	_ =	sdelay $0x3  }
0x98: {  	_ =	strace s5  }
0x99: {  	_ =	strace $0x8FFFFFFF  }
0x9a: {  	s20 =	sld [smem:$0x3FDB];
	_ =	sdelay $0x1  }
0x9b: {  	s6 =	simm.s32 $_scs_section_size  }
0x9c: {  	s7 =	simm.s32 $_size__tile_overlayer_lowered;
	s8 =	simm.s32 $_tile_overlayer_lowered  }
0x9d: {  	s23 =	simm.s32 $0x1BFF;
	s22 =	sshll.u32 s8, $0x1;
	s5 =	sadd.s32 s6, s20  }
0x9e: {  	s9 =	simm.s32 $0x0;
	s21 =	sshll.u32 s7, $0x1;
	s7 =	sadd.s32 s22, s5  }
0x9f: {  	[timem:s9], [sflag:s23] =	dma.local [hbm:s7], s21  }
0xa0: {  	_ =	swait.ge [sflag:s23], s21  }
0xa1: {  	s6 =	ssub.s32 $0x0, s21;
	[sflag:s23] =	ssyncset.done $0x0  }
0xa2: {  	[sflag:s23] =	ssyncadd.s32 s6;
	_ =	sdelay $0x1  }
0xa3: {  	s24 =	simm.s32 $0x1B8B  }
0xa4: {  	_ =	swait.ge [sflag:s24], $0x1  }
0xa5: {  	[sflag:s24] =	ssyncset.done $0x0  }
0xa6: {  	s25 =	simm.s32 $0x1B8E;
	[sflag:s24] =	ssyncadd.s32 $0xFFFFFFFF  }
0xa7: {  	s26 =	simm.s32 $execute0_lowered;
	[smem:$0x3FD2] =	sst s25  }
0xa8: {  	s6 =	sshll.u32 s26, $0x1;
	_ =	strace $0x80000046;
	[dreg:$0x1] =	wrdreg $0xFFFFFFFF  }
0xa9: {  	s28 =	simm.s32 $_size_execute0_lowered;
	s5 =	sadd.s32 s5, s6;
	[dreg:$0x0] =	wrdreg $0x0  }
0xaa: {  	s6 =	sshll.u32 s28, $0x1;
	[dreg:$0x2] =	wrdreg s5  }
0xab: {  	[dreg:$0x3] =	wrdreg s6  }
0xac: {  	[dreg:$0x4] =	wrdreg $0xC0  }
0xad: {  	_ =	task [dreg:s9], $0x5FFFF  }
0xae: {  	[dreg:$0x1] =	wrdreg $0xFFFFFFFF  }
0xaf: {  	[dreg:$0x0] =	wrdreg $0x60  }
0xb0: {  	[dreg:$0x2] =	wrdreg s2  }
0xb1: {  	[dreg:$0x3] =	wrdreg s19  }
0xb2: {  	[dreg:$0x4] =	wrdreg s4  }
0xb3: {  	[dreg:$0x5] =	wrdreg $0x9  }
0xb4: {  	_ =	task.clear_ibuf [dreg:s9], $0x6FFFF;
	_ =	strace $0x90000046  }
0xb5: {  	s29 =	simm.s32 $0x9;
	_ =	strace $0x80000048  }
0xb6: {  	_ =	swait.ge [sflag:s29], $0x1  }
0xb7: {  	[sflag:s29] =	ssyncadd.s32 $0xFFFFFFFF  }
0xb8: {  	_ =	strace $0x90000048  }
0xb9: {  	_ =	sfence  }
0xba: {  	s30 =	sld [smem:$0x0];
	_ =	sdelay $0x2  }
0xbb: {  	s31 =	sshll.u32 s1, $0xD;
	s1 =	sshrl.u32 s1, $0x2  }
0xbc: {  	s3 =	sand.u32 $0x4000, s31;
	s1 =	sadd.s32 s1, s30  }
0xbd: {  	s0 =	sor.u32 s3, s0;
	s1 =	sshll.u32 s1, $0x11  }
0xbe: {  	s0 =	sor.u32 s1, s0  }
0xbf: {  	s0 =	sadd.s32 $0x8F2B, s0  }
0xc0: {  	[sflag:s0] =	ssyncadd.remote.s32 $0x1  }
0xc1: {  	_ =	sfence.sel $0xFFFF  }
0xc2: {  	[dreg:$0x0] =	wrdreg $0xFFFFFFFF;
	(pc) =	sbr.abs _section_cstart, $3  }
0xc3: {  	[dreg:$0x1] =	wrdreg $0xFFFFFFFF  }
0xc4: {  	_ =	task.clear_ibuf [dreg:s9], $0x2FFFF;
	_ =	strace $0x9FFFFFFF  }
0xc5: {  	(tm) =	ssettm $0x7FFFFFFF  }
tec
execute0_lowered:
.L_overlay_start_1:
0x0: {  	(tag) =	ssettag $0x1  }
0x1: {  	s5 =	rddreg [dreg:$0x0]  }
0x2: {  	s2 =	rddreg [dreg:$0x1];
	s1 =	srdreg.scid  }
0x3: {  	s0 =	stileid.u32;
	s3 =	rddreg [dreg:$0x2];
	s4 =	simm.s32 $0x0  }
0x4: {  	s10 =	simm.s32 $0x6400;
	s6 =	sand.u32 $0x1, s1;
	s7 =	sshll.u32 s0, $0x1  }
0x5: {  	s11 =	simm.s32 $0x4;
	s12 =	simm.s32 $0x0;
	s7 =	sor.u32 s6, s7  }
0x6: {  	[smem:$0x7FF] =	sst s4;
	s6 =	ssub.s32 $0x2, s6;
	s8 =	smul.u32 $0xC80, s7  }
0x7: {  	s1 =	rddreg [dreg:$0x3];
	_ =	strace $0x80000047;
	s9 =	sshrl.u32 s6, $0x1  }
0x8: {  	s9 =	ssub.s32 s6, s9;
	s6 =	smul.u32 $0x320000, s7;
	s5 =	sadd.s32 s5, s8  }
0x9: {  	s7 =	smax.u32 s9, $0x1;
	s8 =	simm.s32 $0x5;
	s9 =	simm.s32 $0x100  }
.LBB2_1:
0xa: {  	[tilespmem:s4], [sflag:$0x5] =	stream.linear.gather [hbm4b:s5+s4], $0x6400, $0x38;
	[tilespmem:$0x16400] =	vst v63  }
0xb: {  	_ =	swait.ge [sflag:s8], $0x6400  }
0xc: {  	[sflag:s8] =	ssyncset.done $0x0  }
0xd: {  	p0 =	por $0x0, $0x0;
	s14 =	simm.s32 $0x0;
	[sflag:s8] =	ssyncadd.s32 $0xFFFF9C00  }
0xe: {  	[tilespmem:s10], [sflag:$0x1] =	stream.indirect.gather [hbm4b:s2+s9], $0x80, s4, s9, $0xb8;
	[tilespmem:$0x16400] =	vst v63  }
.LBB2_2:
0xf: {  	s13 =	sadd.s32 $0x1, s14  }
0x10: {  	p1 =	seq.s32 s14, $0x0;
	s15 =	sand.u32 $0x1, s13  }
0x11: {  	s16 =	sadd.s32 @!p1 $0x3, s15  }
0x12: {  	p2 =	seq.s32 @!p1 s14, $0x63;
	_ =	swait.ge @!p1 [sflag:s16], $0x8000  }
0x13: {  	p2 =	por p1, !p2;
	[sflag:s16] =	ssyncset.done @!p1 $0x0  }
0x14: {  	s17 =	sshll.u32 @p2 s13, $0x8;
	[sflag:s16] =	ssyncadd.s32 @!p1 $0xFFFF8000;
	s16 =	sshll.u32 @p2 s15, $0xF  }
0x15: {  	s17 =	sand.u32 @p2 $0x3FFFFF00, s17;
	s15 =	sadd.s32 @p2 $0x1, s15;
	s16 =	sor.u32 @p2 $0x6400, s16  }
0x16: {  	[tilespmem:s16], [sflag:s15] =	stream.indirect.gather @p2 [hbm4b:s2+s9], $0x80, s17, s9, $0xb8;
	[tilespmem:$0x16400] =	vst v63  }
0x17: {  	s15 =	sand.u32 $0x1, s14  }
0x18: {  	s16 =	simm.s32 $0x1;
	s30 =	sadd.s32 $0x1, s15  }
0x19: {  	s16 =	simm.s32 @!p0 $0x0;
	_ =	swait.ge [sflag:s30], $0x8000  }
0x1a: {  	s16 =	sshll.u32 s16, $0xF;
	[sflag:s30] =	ssyncset.done $0x0  }
0x1b: {  	s16 =	sor.u32 $0x6500, s16;
	[sflag:s30] =	ssyncadd.s32 $0xFFFF8000  }
0x1c: {  	v1 =	vld [tilespmem:s16+$0x20]  }
0x1d: {  	v2 =	vld [tilespmem:s16+$0xFFFFFF80]  }
0x1e: {  	v3 =	vld [tilespmem:s16+$0xA0]  }
0x1f: {  	v4 =	vld [tilespmem:s16+$0x90]  }
0x20: {  	v5 =	vld [tilespmem:s16+$0xFFFFFF20]  }
0x21: {  	v0 =	vld [tilespmem:s16+$0x10]  }
0x22: {  	v7 =	vld [tilespmem:s16+$0xFFFFFF10]  }
0x23: {  	v8 =	vld [tilespmem:s16+$0x80]  }
0x24: {  	v9 =	vld [tilespmem:s16+$0xFFFFFF00];
	v4 =	vmul.f32 $8.000000000e+00, v4  }
0x25: {  	v10 =	vld [tilespmem:s16+$0x30];
	v1 =	vmul.f32 $8.000000000e+00, v1  }
0x26: {  	v11 =	vld [tilespmem:s16+$0xFFFFFF90];
	v2 =	vmul.f32 $8.000000000e+00, v2;
	[tilespmem:s16+$0x90] =	vst v4  }
0x27: {  	v6 =	vld [tilespmem:s16+$0xB0];
	v4 =	vmul.f32 $8.000000000e+00, v3;
	[tilespmem:s16+$0x20] =	vst v1  }
0x28: {  	v12 =	vmul.f32 $8.000000000e+00, v5;
	v3 =	vld [tilespmem:s16+$0x0];
	[tilespmem:s16+$0xFFFFFF80] =	vst v2  }
0x29: {  	v2 =	vmul.f32 $8.000000000e+00, v8;
	[tilespmem:s16+$0xA0] =	vst v4;
	v4 =	vld [tilespmem:s16+$0xFFFFFFB0]  }
0x2a: {  	s31 =	sshll.u32 s15, $0xF;
	v5 =	vld [tilespmem:s16+$0xFFFFFFA0];
	v8 =	vmul.f32 $8.000000000e+00, v9;
	v1 =	vmul.f32 $8.000000000e+00, v7;
	[tilespmem:s16+$0xFFFFFF20] =	vst v12  }
0x2b: {  	s18 =	simm.s32 $0x0;
	s17 =	sor.u32 $0x6400, s31;
	s19 =	sadd.s32 $0x200, s16;
	v7 =	vld [tilespmem:s16+$0xFFFFFF30];
	v9 =	vmul.f32 $8.000000000e+00, v11;
	[tilespmem:s16+$0x80] =	vst v2;
	v2 =	vmul.f32 $8.000000000e+00, v10  }
.LBB2_3:
0x2c: {  	v10 =	vld [tilespmem:s19+$0x20];
	s18 =	sadd.s32 $0x4, s18;
	[tilespmem:s16+$0xFFFFFF00] =	vst v8;
	v0 =	vmul.f32 $8.000000000e+00, v0;
	v6 =	vmul.f32 $8.000000000e+00, v6  }
0x2d: {  	v8 =	vld [tilespmem:s19+$0xFFFFFF80];
	p1 =	slt.u32 s18, $0xFC;
	[tilespmem:s16+$0xFFFFFF90] =	vst v9;
	v3 =	vmul.f32 $8.000000000e+00, v3  }
0x2e: {  	v9 =	vld [tilespmem:s19+$0xA0];
	v4 =	vmul.f32 $8.000000000e+00, v4;
	[tilespmem:s16+$0xB0] =	vst v6  }
0x2f: {  	v11 =	vld [tilespmem:s19+$0xFFFFFF20];
	v5 =	vmul.f32 $8.000000000e+00, v5;
	[tilespmem:s16+$0x0] =	vst v3  }
0x30: {  	v3 =	vld [tilespmem:s19+$0x90];
	v6 =	vmul.f32 $8.000000000e+00, v7;
	[tilespmem:s16+$0x10] =	vst v0  }
0x31: {  	v0 =	vld [tilespmem:s19+$0x10];
	v7 =	vmul.f32 $8.000000000e+00, v10;
	[tilespmem:s16+$0xFFFFFF10] =	vst v1  }
0x32: {  	v1 =	vld [tilespmem:s19+$0xFFFFFF10];
	[tilespmem:s16+$0xFFFFFF30] =	vst v6  }
0x33: {  	v10 =	vld [tilespmem:s19+$0x80];
	v9 =	vmul.f32 $8.000000000e+00, v9;
	[tilespmem:s16+$0x30] =	vst v2  }
0x34: {  	v2 =	vld [tilespmem:s19+$0xFFFFFF00];
	[tilespmem:s16+$0xFFFFFFB0] =	vst v4  }
0x35: {  	v12 =	vld [tilespmem:s19+$0x30];
	v3 =	vmul.f32 $8.000000000e+00, v3;
	[tilespmem:s16+$0xFFFFFFA0] =	vst v5;
	s16 =	smov.u32 s19  }
0x36: {  	v13 =	vld [tilespmem:s19+$0xFFFFFF90];
	[tilespmem:s19+$0x20] =	vst v7  }
.Ltmp0:
0x37: {  	v4 =	vmul.f32 $8.000000000e+00, v8;
	[tilespmem:s19+$0x90] =	vst v3;
	v6 =	vld [tilespmem:s19+$0xB0];
	(pc) =	sbr.rel @p1 .LBB2_3-.Ltmp0, $4  }
0x38: {  	v3 =	vld [tilespmem:s19+$0x0];
	v7 =	vmul.f32 $8.000000000e+00, v10;
	[tilespmem:s19+$0xA0] =	vst v9  }
0x39: {  	v9 =	vmul.f32 $8.000000000e+00, v11;
	[tilespmem:s19+$0xFFFFFF80] =	vst v4;
	v4 =	vld [tilespmem:s19+$0xFFFFFFB0]  }
0x3a: {  	v1 =	vmul.f32 $8.000000000e+00, v1;
	v8 =	vmul.f32 $8.000000000e+00, v2;
	v5 =	vld [tilespmem:s19+$0xFFFFFFA0];
	[tilespmem:s19+$0x80] =	vst v7  }
0x3b: {  	v2 =	vmul.f32 $8.000000000e+00, v12;
	s19 =	sadd.s32 $0x200, s19;
	[tilespmem:s16+$0xFFFFFF20] =	vst v9;
	v7 =	vld [tilespmem:s16+$0xFFFFFF30];
	v9 =	vmul.f32 $8.000000000e+00, v13  }
0x3c: {  	[tilespmem:s16+$0xFFFFFF00] =	vst v8  }
0x3d: {  	[tilespmem:s16+$0xFFFFFF10] =	vst v1  }
0x3e: {  	v6 =	vmul.f32 $8.000000000e+00, v6;
	[tilespmem:s16+$0xFFFFFF90] =	vst v9  }
0x3f: {  	v0 =	vmul.f32 $8.000000000e+00, v0;
	[tilespmem:s16+$0x30] =	vst v2  }
0x40: {  	v3 =	vmul.f32 $8.000000000e+00, v3;
	[tilespmem:s16+$0xB0] =	vst v6  }
0x41: {  	[tilespmem:s16+$0x10] =	vst v0;
	v62 =	vmul.f32 $8.000000000e+00, v4  }
0x42: {  	s14 =	sshll.u32 s14, $0xF;
	p1 =	sne.s32 s13, $0x64;
	[tilespmem:s16+$0x0] =	vst v3;
	v63 =	vmul.f32 $8.000000000e+00, v5  }
.Ltmp1:
0x43: {  	s14 =	sadd.s32 s6, s14;
	v61 =	vmul.f32 $8.000000000e+00, v7;
	[tilespmem:s16+$0xFFFFFFB0] =	vst v62;
	(pc) =	sbr.rel @p1 .LBB2_2-.Ltmp1, $4  }
0x44: {  	s14 =	sshrl.u32 s14, $0x3;
	[tilespmem:s16+$0xFFFFFFA0] =	vst v63  }
0x45: {  	s15 =	sadd.s32 $0x3, s15;
	s14 =	sadd.s32 s3, s14;
	[tilespmem:s16+$0xFFFFFF30] =	vst v61  }
0x46: {  	[hbm4b:s14+s4] =	stream.linear.scatter [tilespmem:s17], [sflag:s15], $0x8000, $0x38;
	[tilespmem:$0x16400] =	vst v63  }
0x47: {  	p0 =	por !p0, !p0;
	s14 =	smov.u32 s13  }
0x48: {  	s12 =	sadd.s32 $0x1, s12  }
0x49: {  	p0 =	sne.s32 s12, s7  }
.Ltmp2:
0x4a: {  	_ = 	snop;
	(pc) =	sbr.rel @p0 .LBB2_1-.Ltmp2, $4  }
0x4b: {  	_ = 	snop  }
0x4c: {  	_ =	swait.ge [sflag:s11], $0x8000  }
0x4d: {  	[sflag:s11] =	ssyncset.done $0x0  }
0x4e: {  	[sflag:s11] =	ssyncadd.s32 $0xFFFF8000  }
0x4f: {  	_ =	sfence.sel $0x180000  }
0x50: {  	[bflag:$0x0] =	sbarrier.arrive $0xFFFF  }
0x51: {  	p0 =	sne.s32 s0, $0x0;
	_ =	strace $0x90000047  }
0x52: {  	s0 =	sadd.s32 @!p0 $0x100000, s1;
	[bflag:$0x2] =	sbarrier.arrive $0xFFFF  }
0x53: {  	[sflag:s0] =	ssyncadd.tile.s32 @!p0 $0x1;
	_ =	shalt  }
.Lfunc_end2:
_tile_overlayer_lowered:
.L_overlay_start_2:
0x54: {  	(tag) =	ssettag $0x2  }
0x55: {  	s0 =	rddreg [dreg:$0x0];
	s2 =	stileid.u32  }
0x56: {  	s1 =	rddreg [dreg:$0x1];
	p0 =	sne.s32 s2, $0x0  }
0x57: {  	s3 =	rddreg [dreg:$0x2];
	[bflag:$0x3] =	sbarrier.arrive $0xFFFF;
	s2 =	simm.s32 @!p0 $0x1C05  }
0x58: {  	[timem:s3], [sflag:s2] =	dma.local @!p0 [hbm:s0], s1  }
0x59: {  	s0 =	simm.s32 @!p0 $0x5  }
0x5a: {  	_ =	swait.ge @!p0 [sflag:s0], s1  }
0x5b: {  	s1 =	ssub.s32 @!p0 $0x0, s1;
	[sflag:s0] =	ssyncset.done @!p0 $0x0  }
0x5c: {  	[sflag:s0] =	ssyncadd.s32 @!p0 s1  }
0x5d: {  	[bflag:$0x3] =	sbarrier.arrive $0xFFFF  }
0x5e: {  	_ =	shalt  }

</sc_bundles>
